<compile_context>
chip_gen: v7x
topology: tpu7x:2x2x1
jax: 0.10.2.dev20260603
libtpu: 0.0.44.dev20260713+nightly
codegen_flags: <defaults>
</compile_context>

<pallas_src>
import functools

import jax
import jax.numpy as jnp
from jax import lax
from jax.experimental import pallas as pl
from jax.experimental.pallas import tpu as pltpu
from jax.experimental.pallas import tpu_sc as plsc

BATCH = 16384
DIM = 64
NUM_CORES = 2
NUM_SUBCORES = 16
NW = NUM_CORES * NUM_SUBCORES
B_PER_W = BATCH // NW


def _gather_body(idx_hbm, tab_hbm, out_hbm, idx_v, rows_v, sem):
    wid = lax.axis_index("s") * NUM_CORES + lax.axis_index("c")
    base = wid * B_PER_W
    pltpu.sync_copy(idx_hbm.at[wid], idx_v)

    def body(g, carry):
        vidx = idx_v[pl.ds(g * 16, 16)]
        vt = jnp.right_shift(vidx, 3)
        vr = jnp.bitwise_and(vidx, 7)
        for l in range(16):
            pltpu.async_copy(
                tab_hbm.at[vt[l], vr[l]], rows_v.at[g * 16 + l], sem
            )
        return carry

    lax.fori_loop(0, B_PER_W // 16, body, 0)
    pltpu.make_async_copy(out_hbm.at[pl.ds(0, B_PER_W)], rows_v, sem).wait()
    pltpu.sync_copy(rows_v, out_hbm.at[pl.ds(base, B_PER_W)])


@jax.jit
def _gather(entities_blocks, entity_table3):
    mesh = plsc.VectorSubcoreMesh(
        core_axis_name="c", subcore_axis_name="s",
        num_cores=NUM_CORES, num_subcores=NUM_SUBCORES,
    )
    return pl.kernel(
        _gather_body,
        out_type=jax.ShapeDtypeStruct((BATCH, DIM), jnp.float32),
        mesh=mesh,
        compiler_params=pltpu.CompilerParams(use_tc_tiling_on_sc=True),
        scratch_types=[
            pltpu.VMEM((B_PER_W,), jnp.int32),
            pltpu.VMEM((B_PER_W, DIM), jnp.float32),
            pltpu.SemaphoreType.DMA,
        ],
    )(entities_blocks, entity_table3)


def kernel(entities, entity_table):
    idx = entities.astype(jnp.int32).reshape(NW, B_PER_W)
    tab3 = entity_table.reshape(entity_table.shape[0] // 8, 8, DIM)
    return _gather(idx, tab3)

# --- scband reference (transcript-rebuilt; emitter-appended) ---
"""Pipeline reference for scband-tuck-erknowledge-graph-embedding-63737314672936 (READ-ONLY COPY).

The authoritative reference and input builder live on the scoring server;
editing this copy changes nothing except your own understanding.
"""

import jax, jax.numpy as jnp
import numpy as np

NUM_ENTITIES = 1000000
ENTITY_DIM = 64
BATCH = 16384

def _xavier_uniform(key, shape):
    fan_in, fan_out = shape[0], shape[1]
    limit = jnp.sqrt(6.0 / (fan_in + fan_out))
    return jax.random.uniform(key, shape, minval=-limit, maxval=limit, dtype=jnp.float32)

def setup_inputs(seed: int = 0) -> dict:
    key = jax.random.key(seed)
    k_idx, k_tab = jax.random.split(key)
    entities = jax.random.randint(k_idx, (BATCH,), 0, NUM_ENTITIES, dtype=jnp.int64 if jax.config.jax_enable_x64 else jnp.int32)
    entity_table = _xavier_uniform(k_tab, (NUM_ENTITIES, ENTITY_DIM))
    return {"entities": entities, "entity_table": entity_table}

def reference(entities, entity_table):
    # TuckERKnowledgeGraphEmbedding.forward: pure embedding lookup
    return jnp.take(entity_table, entities, axis=0)

if __name__ == "__main__":
    import jax
    _d = setup_inputs()
    print(jax.jit(kernel)(*tuple(_d.values())))

</pallas_src>

<mosaic_0001>
#map = affine_map<(d0, d1) -> (0, 0)>
#map1 = affine_map<(d0, d1) -> (0, 0, 0)>
module attributes {stable_mosaic.version = 14 : i64} {
  func.func @_gather_body(%arg0: i32, %arg1: i32, %arg2: memref<32x512xi32, #tpu.memory_space<hbm>>, %arg3: memref<125000x8x64xf32, #tpu.memory_space<hbm>>, %arg4: memref<16384x64xf32, #tpu.memory_space<hbm>>, %arg5: memref<512xi32, #tpu.memory_space<vmem>>, %arg6: memref<512x64xf32, #tpu.memory_space<vmem>>, %arg7: memref<!tpu.dma_semaphore, #tpu.memory_space<semaphore_mem>>) attributes {dimension_semantics = [#tpu.dimension_semantics<core_parallel>, #tpu.dimension_semantics<subcore_parallel>], iteration_bounds = array<i64: 2, 16>, scalar_prefetch = 0 : i64, scratch_operands = 3 : i64, tpu.core_type = #tpu.core_type<sc_vector_subcore>, window_params = [{transform_indices = #map}, {transform_indices = #map1}, {transform_indices = #map}]} {
    %mul3A = arith.constant 2 : i32
    %mul3A_0 = arith.muli %arg1, %mul3A : i32
    %add3A = arith.addi %mul3A_0, %arg0 : i32
    %mul3A_1 = arith.constant 512 : i32
    %mul3A_2 = arith.muli %add3A, %mul3A_1 : i32
    "tpu.region"() ({
      %run_scoped3A = tpu.sem_alloc : memref<!tpu.dma_semaphore, #tpu.memory_space<semaphore_mem>>
      %dma_start3A = arith.constant 0 : i32
      %dma_start3A_13 = tpu.memref_slice %arg2[%add3A, %dma_start3A] : memref<32x512xi32, #tpu.memory_space<hbm>> -> memref<1x512xi32, #tpu.memory_space<hbm>>
      %dma_start3A_14 = tpu.memref_squeeze %dma_start3A_13 : memref<1x512xi32, #tpu.memory_space<hbm>> -> memref<512xi32, #tpu.memory_space<hbm>>
      %dma_start3A_15 = arith.constant 0 : i32
      %dma_start3A_16 = tpu.memref_slice %arg2[%add3A, %dma_start3A_15] : memref<32x512xi32, #tpu.memory_space<hbm>> -> memref<1x512xi32, #tpu.memory_space<hbm>>
      %dma_start3A_17 = tpu.memref_squeeze %dma_start3A_16 : memref<1x512xi32, #tpu.memory_space<hbm>> -> memref<512xi32, #tpu.memory_space<hbm>>
      tpu.enqueue_dma source(%dma_start3A_17 : memref<512xi32, #tpu.memory_space<hbm>>) target(%arg5 : memref<512xi32, #tpu.memory_space<vmem>>) target_semaphore(%run_scoped3A : memref<!tpu.dma_semaphore, #tpu.memory_space<semaphore_mem>>)
      %dma_wait3A_18 = arith.constant 0 : i32
      %dma_wait3A_19 = tpu.memref_slice %arg2[%add3A, %dma_wait3A_18] : memref<32x512xi32, #tpu.memory_space<hbm>> -> memref<1x512xi32, #tpu.memory_space<hbm>>
      %dma_wait3A_20 = tpu.memref_squeeze %dma_wait3A_19 : memref<1x512xi32, #tpu.memory_space<hbm>> -> memref<512xi32, #tpu.memory_space<hbm>>
      %dma_wait3A_21 = arith.constant 0 : i32
      %dma_wait3A_22 = tpu.memref_slice %arg2[%add3A, %dma_wait3A_21] : memref<32x512xi32, #tpu.memory_space<hbm>> -> memref<1x512xi32, #tpu.memory_space<hbm>>
      %dma_wait3A_23 = tpu.memref_squeeze %dma_wait3A_22 : memref<1x512xi32, #tpu.memory_space<hbm>> -> memref<512xi32, #tpu.memory_space<hbm>>
      tpu.wait_dma2 semaphore(%run_scoped3A : memref<!tpu.dma_semaphore, #tpu.memory_space<semaphore_mem>>) src(%dma_wait3A_23 : memref<512xi32, #tpu.memory_space<hbm>>) dst(%arg5 : memref<512xi32, #tpu.memory_space<vmem>>)
      tpu.yield
    }) : () -> ()
    %scan3A = arith.constant 0 : i32
    %scan3A_3 = arith.constant 0 : i32
    %scan3A_4 = arith.constant 32 : i32
    %scan3A_5 = arith.addi %scan3A_3, %scan3A_4 : i32
    %scan3A_6 = arith.constant 1 : i32
    scf.for %scan3A_13 = %scan3A_3 to %scan3A_5 step %scan3A_6  : i32 {
      %mul3A_14 = arith.constant 16 : i32
      %mul3A_15 = arith.muli %scan3A_13, %mul3A_14 : i32
      %get3A = arith.index_cast %mul3A_15 : i32 to index
      %get3A_16 = tpu.vector_load %arg5[%get3A] {strides = array<i32>} : memref<512xi32, #tpu.memory_space<vmem>>, vector<16xi32>,
      %get3A_17 = vector.shape_cast %get3A_16 : vector<16xi32> to vector<16xi32>
      %shift_right_arithmetic3A = arith.constant 3 : i32
      %shift_right_arithmetic3A_18 = vector.broadcast %shift_right_arithmetic3A : i32 to vector<16xi32>
      %shift_right_arithmetic3A_19 = arith.shrsi %get3A_17, %shift_right_arithmetic3A_18 : vector<16xi32>
      %and3A = arith.constant 7 : i32
      %and3A_20 = vector.broadcast %and3A : i32 to vector<16xi32>
      %and3A_21 = arith.andi %get3A_17, %and3A_20 : vector<16xi32>
      %slice3A = vector.extract_strided_slice %shift_right_arithmetic3A_19 {offsets = [0], sizes = [1], strides = [1]} : vector<16xi32> to vector<1xi32>
      %squeeze3A = vector.extract %slice3A[0] : i32 from vector<1xi32>
      %slice3A_22 = vector.extract_strided_slice %and3A_21 {offsets = [0], sizes = [1], strides = [1]} : vector<16xi32> to vector<1xi32>
      %squeeze3A_23 = vector.extract %slice3A_22[0] : i32 from vector<1xi32>
      %mul3A_24 = arith.constant 16 : i32
      %mul3A_25 = arith.muli %scan3A_13, %mul3A_24 : i32
      %add3A_26 = arith.constant 0 : i32
      %add3A_27 = arith.addi %mul3A_25, %add3A_26 : i32
      %dma_start3A = arith.constant 0 : i32
      %dma_start3A_28 = tpu.memref_slice %arg6[%add3A_27, %dma_start3A] : memref<512x64xf32, #tpu.memory_space<vmem>> -> memref<1x64xf32, #tpu.memory_space<vmem>>
      %dma_start3A_29 = tpu.memref_squeeze %dma_start3A_28 : memref<1x64xf32, #tpu.memory_space<vmem>> -> memref<64xf32, #tpu.memory_space<vmem>>
      %dma_start3A_30 = arith.constant 0 : i32
      %dma_start3A_31 = tpu.memref_slice %arg3[%squeeze3A, %squeeze3A_23, %dma_start3A_30] : memref<125000x8x64xf32, #tpu.memory_space<hbm>> -> memref<1x1x64xf32, #tpu.memory_space<hbm>>
      %dma_start3A_32 = tpu.memref_squeeze %dma_start3A_31 : memref<1x1x64xf32, #tpu.memory_space<hbm>> -> memref<64xf32, #tpu.memory_space<hbm>>
      %dma_start3A_33 = arith.constant 0 : i32
      %dma_start3A_34 = tpu.memref_slice %arg6[%add3A_27, %dma_start3A_33] : memref<512x64xf32, #tpu.memory_space<vmem>> -> memref<1x64xf32, #tpu.memory_space<vmem>>
      %dma_start3A_35 = tpu.memref_squeeze %dma_start3A_34 : memref<1x64xf32, #tpu.memory_space<vmem>> -> memref<64xf32, #tpu.memory_space<vmem>>
      %dma_start3A_36 = arith.constant 0 : i32
      %dma_start3A_37 = tpu.memref_slice %arg3[%squeeze3A, %squeeze3A_23, %dma_start3A_36] : memref<125000x8x64xf32, #tpu.memory_space<hbm>> -> memref<1x1x64xf32, #tpu.memory_space<hbm>>
      %dma_start3A_38 = tpu.memref_squeeze %dma_start3A_37 : memref<1x1x64xf32, #tpu.memory_space<hbm>> -> memref<64xf32, #tpu.memory_space<hbm>>
      tpu.enqueue_dma source(%dma_start3A_38 : memref<64xf32, #tpu.memory_space<hbm>>) target(%dma_start3A_35 : memref<64xf32, #tpu.memory_space<vmem>>) target_semaphore(%arg7 : memref<!tpu.dma_semaphore, #tpu.memory_space<semaphore_mem>>)
      %slice3A_39 = vector.extract_strided_slice %shift_right_arithmetic3A_19 {offsets = [1], sizes = [1], strides = [1]} : vector<16xi32> to vector<1xi32>
      %squeeze3A_40 = vector.extract %slice3A_39[0] : i32 from vector<1xi32>
      %slice3A_41 = vector.extract_strided_slice %and3A_21 {offsets = [1], sizes = [1], strides = [1]} : vector<16xi32> to vector<1xi32>
      %squeeze3A_42 = vector.extract %slice3A_41[0] : i32 from vector<1xi32>
      %mul3A_43 = arith.constant 16 : i32
      %mul3A_44 = arith.muli %scan3A_13, %mul3A_43 : i32
      %add3A_45 = arith.constant 1 : i32
      %add3A_46 = arith.addi %mul3A_44, %add3A_45 : i32
      %dma_start3A_47 = arith.constant 0 : i32
      %dma_start3A_48 = tpu.memref_slice %arg6[%add3A_46, %dma_start3A_47] : memref<512x64xf32, #tpu.memory_space<vmem>> -> memref<1x64xf32, #tpu.memory_space<vmem>>
      %dma_start3A_49 = tpu.memref_squeeze %dma_start3A_48 : memref<1x64xf32, #tpu.memory_space<vmem>> -> memref<64xf32, #tpu.memory_space<vmem>>
      %dma_start3A_50 = arith.constant 0 : i32
      %dma_start3A_51 = tpu.memref_slice %arg3[%squeeze3A_40, %squeeze3A_42, %dma_start3A_50] : memref<125000x8x64xf32, #tpu.memory_space<hbm>> -> memref<1x1x64xf32, #tpu.memory_space<hbm>>
      %dma_start3A_52 = tpu.memref_squeeze %dma_start3A_51 : memref<1x1x64xf32, #tpu.memory_space<hbm>> -> memref<64xf32, #tpu.memory_space<hbm>>
      %dma_start3A_53 = arith.constant 0 : i32
      %dma_start3A_54 = tpu.memref_slice %arg6[%add3A_46, %dma_start3A_53] : memref<512x64xf32, #tpu.memory_space<vmem>> -> memref<1x64xf32, #tpu.memory_space<vmem>>
      %dma_start3A_55 = tpu.memref_squeeze %dma_start3A_54 : memref<1x64xf32, #tpu.memory_space<vmem>> -> memref<64xf32, #tpu.memory_space<vmem>>
      %dma_start3A_56 = arith.constant 0 : i32
      %dma_start3A_57 = tpu.memref_slice %arg3[%squeeze3A_40, %squeeze3A_42, %dma_start3A_56] : memref<125000x8x64xf32, #tpu.memory_space<hbm>> -> memref<1x1x64xf32, #tpu.memory_space<hbm>>
      %dma_start3A_58 = tpu.memref_squeeze %dma_start3A_57 : memref<1x1x64xf32, #tpu.memory_space<hbm>> -> memref<64xf32, #tpu.memory_space<hbm>>
      tpu.enqueue_dma source(%dma_start3A_58 : memref<64xf32, #tpu.memory_space<hbm>>) target(%dma_start3A_55 : memref<64xf32, #tpu.memory_space<vmem>>) target_semaphore(%arg7 : memref<!tpu.dma_semaphore, #tpu.memory_space<semaphore_mem>>)
      %slice3A_59 = vector.extract_strided_slice %shift_right_arithmetic3A_19 {offsets = [2], sizes = [1], strides = [1]} : vector<16xi32> to vector<1xi32>
      %squeeze3A_60 = vector.extract %slice3A_59[0] : i32 from vector<1xi32>
      %slice3A_61 = vector.extract_strided_slice %and3A_21 {offsets = [2], sizes = [1], strides = [1]} : vector<16xi32> to vector<1xi32>
      %squeeze3A_62 = vector.extract %slice3A_61[0] : i32 from vector<1xi32>
      %mul3A_63 = arith.constant 16 : i32
      %mul3A_64 = arith.muli %scan3A_13, %mul3A_63 : i32
      %add3A_65 = arith.constant 2 : i32
      %add3A_66 = arith.addi %mul3A_64, %add3A_65 : i32
      %dma_start3A_67 = arith.constant 0 : i32
      %dma_start3A_68 = tpu.memref_slice %arg6[%add3A_66, %dma_start3A_67] : memref<512x64xf32, #tpu.memory_space<vmem>> -> memref<1x64xf32, #tpu.memory_space<vmem>>
      %dma_start3A_69 = tpu.memref_squeeze %dma_start3A_68 : memref<1x64xf32, #tpu.memory_space<vmem>> -> memref<64xf32, #tpu.memory_space<vmem>>
      %dma_start3A_70 = arith.constant 0 : i32
      %dma_start3A_71 = tpu.memref_slice %arg3[%squeeze3A_60, %squeeze3A_62, %dma_start3A_70] : memref<125000x8x64xf32, #tpu.memory_space<hbm>> -> memref<1x1x64xf32, #tpu.memory_space<hbm>>
      %dma_start3A_72 = tpu.memref_squeeze %dma_start3A_71 : memref<1x1x64xf32, #tpu.memory_space<hbm>> -> memref<64xf32, #tpu.memory_space<hbm>>
      %dma_start3A_73 = arith.constant 0 : i32
      %dma_start3A_74 = tpu.memref_slice %arg6[%add3A_66, %dma_start3A_73] : memref<512x64xf32, #tpu.memory_space<vmem>> -> memref<1x64xf32, #tpu.memory_space<vmem>>
      %dma_start3A_75 = tpu.memref_squeeze %dma_start3A_74 : memref<1x64xf32, #tpu.memory_space<vmem>> -> memref<64xf32, #tpu.memory_space<vmem>>
      %dma_start3A_76 = arith.constant 0 : i32
      %dma_start3A_77 = tpu.memref_slice %arg3[%squeeze3A_60, %squeeze3A_62, %dma_start3A_76] : memref<125000x8x64xf32, #tpu.memory_space<hbm>> -> memref<1x1x64xf32, #tpu.memory_space<hbm>>
      %dma_start3A_78 = tpu.memref_squeeze %dma_start3A_77 : memref<1x1x64xf32, #tpu.memory_space<hbm>> -> memref<64xf32, #tpu.memory_space<hbm>>
      tpu.enqueue_dma source(%dma_start3A_78 : memref<64xf32, #tpu.memory_space<hbm>>) target(%dma_start3A_75 : memref<64xf32, #tpu.memory_space<vmem>>) target_semaphore(%arg7 : memref<!tpu.dma_semaphore, #tpu.memory_space<semaphore_mem>>)
      %slice3A_79 = vector.extract_strided_slice %shift_right_arithmetic3A_19 {offsets = [3], sizes = [1], strides = [1]} : vector<16xi32> to vector<1xi32>
      %squeeze3A_80 = vector.extract %slice3A_79[0] : i32 from vector<1xi32>
      %slice3A_81 = vector.extract_strided_slice %and3A_21 {offsets = [3], sizes = [1], strides = [1]} : vector<16xi32> to vector<1xi32>
      %squeeze3A_82 = vector.extract %slice3A_81[0] : i32 from vector<1xi32>
      %mul3A_83 = arith.constant 16 : i32
      %mul3A_84 = arith.muli %scan3A_13, %mul3A_83 : i32
      %add3A_85 = arith.constant 3 : i32
      %add3A_86 = arith.addi %mul3A_84, %add3A_85 : i32
      %dma_start3A_87 = arith.constant 0 : i32
      %dma_start3A_88 = tpu.memref_slice %arg6[%add3A_86, %dma_start3A_87] : memref<512x64xf32, #tpu.memory_space<vmem>> -> memref<1x64xf32, #tpu.memory_space<vmem>>
      %dma_start3A_89 = tpu.memref_squeeze %dma_start3A_88 : memref<1x64xf32, #tpu.memory_space<vmem>> -> memref<64xf32, #tpu.memory_space<vmem>>
      %dma_start3A_90 = arith.constant 0 : i32
      %dma_start3A_91 = tpu.memref_slice %arg3[%squeeze3A_80, %squeeze3A_82, %dma_start3A_90] : memref<125000x8x64xf32, #tpu.memory_space<hbm>> -> memref<1x1x64xf32, #tpu.memory_space<hbm>>
      %dma_start3A_92 = tpu.memref_squeeze %dma_start3A_91 : memref<1x1x64xf32, #tpu.memory_space<hbm>> -> memref<64xf32, #tpu.memory_space<hbm>>
      %dma_start3A_93 = arith.constant 0 : i32
      %dma_start3A_94 = tpu.memref_slice %arg6[%add3A_86, %dma_start3A_93] : memref<512x64xf32, #tpu.memory_space<vmem>> -> memref<1x64xf32, #tpu.memory_space<vmem>>
      %dma_start3A_95 = tpu.memref_squeeze %dma_start3A_94 : memref<1x64xf32, #tpu.memory_space<vmem>> -> memref<64xf32, #tpu.memory_space<vmem>>
      %dma_start3A_96 = arith.constant 0 : i32
      %dma_start3A_97 = tpu.memref_slice %arg3[%squeeze3A_80, %squeeze3A_82, %dma_start3A_96] : memref<125000x8x64xf32, #tpu.memory_space<hbm>> -> memref<1x1x64xf32, #tpu.memory_space<hbm>>
      %dma_start3A_98 = tpu.memref_squeeze %dma_start3A_97 : memref<1x1x64xf32, #tpu.memory_space<hbm>> -> memref<64xf32, #tpu.memory_space<hbm>>
      tpu.enqueue_dma source(%dma_start3A_98 : memref<64xf32, #tpu.memory_space<hbm>>) target(%dma_start3A_95 : memref<64xf32, #tpu.memory_space<vmem>>) target_semaphore(%arg7 : memref<!tpu.dma_semaphore, #tpu.memory_space<semaphore_mem>>)
      %slice3A_99 = vector.extract_strided_slice %shift_right_arithmetic3A_19 {offsets = [4], sizes = [1], strides = [1]} : vector<16xi32> to vector<1xi32>
      %squeeze3A_100 = vector.extract %slice3A_99[0] : i32 from vector<1xi32>
      %slice3A_101 = vector.extract_strided_slice %and3A_21 {offsets = [4], sizes = [1], strides = [1]} : vector<16xi32> to vector<1xi32>
      %squeeze3A_102 = vector.extract %slice3A_101[0] : i32 from vector<1xi32>
      %mul3A_103 = arith.constant 16 : i32
      %mul3A_104 = arith.muli %scan3A_13, %mul3A_103 : i32
      %add3A_105 = arith.constant 4 : i32
      %add3A_106 = arith.addi %mul3A_104, %add3A_105 : i32
      %dma_start3A_107 = arith.constant 0 : i32
      %dma_start3A_108 = tpu.memref_slice %arg6[%add3A_106, %dma_start3A_107] : memref<512x64xf32, #tpu.memory_space<vmem>> -> memref<1x64xf32, #tpu.memory_space<vmem>>
      %dma_start3A_109 = tpu.memref_squeeze %dma_start3A_108 : memref<1x64xf32, #tpu.memory_space<vmem>> -> memref<64xf32, #tpu.memory_space<vmem>>
      %dma_start3A_110 = arith.constant 0 : i32
      %dma_start3A_111 = tpu.memref_slice %arg3[%squeeze3A_100, %squeeze3A_102, %dma_start3A_110] : memref<125000x8x64xf32, #tpu.memory_space<hbm>> -> memref<1x1x64xf32, #tpu.memory_space<hbm>>
      %dma_start3A_112 = tpu.memref_squeeze %dma_start3A_111 : memref<1x1x64xf32, #tpu.memory_space<hbm>> -> memref<64xf32, #tpu.memory_space<hbm>>
      %dma_start3A_113 = arith.constant 0 : i32
      %dma_start3A_114 = tpu.memref_slice %arg6[%add3A_106, %dma_start3A_113] : memref<512x64xf32, #tpu.memory_space<vmem>> -> memref<1x64xf32, #tpu.memory_space<vmem>>
      %dma_start3A_115 = tpu.memref_squeeze %dma_start3A_114 : memref<1x64xf32, #tpu.memory_space<vmem>> -> memref<64xf32, #tpu.memory_space<vmem>>
      %dma_start3A_116 = arith.constant 0 : i32
      %dma_start3A_117 = tpu.memref_slice %arg3[%squeeze3A_100, %squeeze3A_102, %dma_start3A_116] : memref<125000x8x64xf32, #tpu.memory_space<hbm>> -> memref<1x1x64xf32, #tpu.memory_space<hbm>>
      %dma_start3A_118 = tpu.memref_squeeze %dma_start3A_117 : memref<1x1x64xf32, #tpu.memory_space<hbm>> -> memref<64xf32, #tpu.memory_space<hbm>>
      tpu.enqueue_dma source(%dma_start3A_118 : memref<64xf32, #tpu.memory_space<hbm>>) target(%dma_start3A_115 : memref<64xf32, #tpu.memory_space<vmem>>) target_semaphore(%arg7 : memref<!tpu.dma_semaphore, #tpu.memory_space<semaphore_mem>>)
      %slice3A_119 = vector.extract_strided_slice %shift_right_arithmetic3A_19 {offsets = [5], sizes = [1], strides = [1]} : vector<16xi32> to vector<1xi32>
      %squeeze3A_120 = vector.extract %slice3A_119[0] : i32 from vector<1xi32>
      %slice3A_121 = vector.extract_strided_slice %and3A_21 {offsets = [5], sizes = [1], strides = [1]} : vector<16xi32> to vector<1xi32>
      %squeeze3A_122 = vector.extract %slice3A_121[0] : i32 from vector<1xi32>
      %mul3A_123 = arith.constant 16 : i32
      %mul3A_124 = arith.muli %scan3A_13, %mul3A_123 : i32
      %add3A_125 = arith.constant 5 : i32
      %add3A_126 = arith.addi %mul3A_124, %add3A_125 : i32
      %dma_start3A_127 = arith.constant 0 : i32
      %dma_start3A_128 = tpu.memref_slice %arg6[%add3A_126, %dma_start3A_127] : memref<512x64xf32, #tpu.memory_space<vmem>> -> memref<1x64xf32, #tpu.memory_space<vmem>>
      %dma_start3A_129 = tpu.memref_squeeze %dma_start3A_128 : memref<1x64xf32, #tpu.memory_space<vmem>> -> memref<64xf32, #tpu.memory_space<vmem>>
      %dma_start3A_130 = arith.constant 0 : i32
      %dma_start3A_131 = tpu.memref_slice %arg3[%squeeze3A_120, %squeeze3A_122, %dma_start3A_130] : memref<125000x8x64xf32, #tpu.memory_space<hbm>> -> memref<1x1x64xf32, #tpu.memory_space<hbm>>
      %dma_start3A_132 = tpu.memref_squeeze %dma_start3A_131 : memref<1x1x64xf32, #tpu.memory_space<hbm>> -> memref<64xf32, #tpu.memory_space<hbm>>
      %dma_start3A_133 = arith.constant 0 : i32
      %dma_start3A_134 = tpu.memref_slice %arg6[%add3A_126, %dma_start3A_133] : memref<512x64xf32, #tpu.memory_space<vmem>> -> memref<1x64xf32, #tpu.memory_space<vmem>>
      %dma_start3A_135 = tpu.memref_squeeze %dma_start3A_134 : memref<1x64xf32, #tpu.memory_space<vmem>> -> memref<64xf32, #tpu.memory_space<vmem>>
      %dma_start3A_136 = arith.constant 0 : i32
      %dma_start3A_137 = tpu.memref_slice %arg3[%squeeze3A_120, %squeeze3A_122, %dma_start3A_136] : memref<125000x8x64xf32, #tpu.memory_space<hbm>> -> memref<1x1x64xf32, #tpu.memory_space<hbm>>
      %dma_start3A_138 = tpu.memref_squeeze %dma_start3A_137 : memref<1x1x64xf32, #tpu.memory_space<hbm>> -> memref<64xf32, #tpu.memory_space<hbm>>
      tpu.enqueue_dma source(%dma_start3A_138 : memref<64xf32, #tpu.memory_space<hbm>>) target(%dma_start3A_135 : memref<64xf32, #tpu.memory_space<vmem>>) target_semaphore(%arg7 : memref<!tpu.dma_semaphore, #tpu.memory_space<semaphore_mem>>)
      %slice3A_139 = vector.extract_strided_slice %shift_right_arithmetic3A_19 {offsets = [6], sizes = [1], strides = [1]} : vector<16xi32> to vector<1xi32>
      %squeeze3A_140 = vector.extract %slice3A_139[0] : i32 from vector<1xi32>
      %slice3A_141 = vector.extract_strided_slice %and3A_21 {offsets = [6], sizes = [1], strides = [1]} : vector<16xi32> to vector<1xi32>
      %squeeze3A_142 = vector.extract %slice3A_141[0] : i32 from vector<1xi32>
      %mul3A_143 = arith.constant 16 : i32
      %mul3A_144 = arith.muli %scan3A_13, %mul3A_143 : i32
      %add3A_145 = arith.constant 6 : i32
      %add3A_146 = arith.addi %mul3A_144, %add3A_145 : i32
      %dma_start3A_147 = arith.constant 0 : i32
      %dma_start3A_148 = tpu.memref_slice %arg6[%add3A_146, %dma_start3A_147] : memref<512x64xf32, #tpu.memory_space<vmem>> -> memref<1x64xf32, #tpu.memory_space<vmem>>
      %dma_start3A_149 = tpu.memref_squeeze %dma_start3A_148 : memref<1x64xf32, #tpu.memory_space<vmem>> -> memref<64xf32, #tpu.memory_space<vmem>>
      %dma_start3A_150 = arith.constant 0 : i32
      %dma_start3A_151 = tpu.memref_slice %arg3[%squeeze3A_140, %squeeze3A_142, %dma_start3A_150] : memref<125000x8x64xf32, #tpu.memory_space<hbm>> -> memref<1x1x64xf32, #tpu.memory_space<hbm>>
      %dma_start3A_152 = tpu.memref_squeeze %dma_start3A_151 : memref<1x1x64xf32, #tpu.memory_space<hbm>> -> memref<64xf32, #tpu.memory_space<hbm>>
      %dma_start3A_153 = arith.constant 0 : i32
      %dma_start3A_154 = tpu.memref_slice %arg6[%add3A_146, %dma_start3A_153] : memref<512x64xf32, #tpu.memory_space<vmem>> -> memref<1x64xf32, #tpu.memory_space<vmem>>
      %dma_start3A_155 = tpu.memref_squeeze %dma_start3A_154 : memref<1x64xf32, #tpu.memory_space<vmem>> -> memref<64xf32, #tpu.memory_space<vmem>>
      %dma_start3A_156 = arith.constant 0 : i32
      %dma_start3A_157 = tpu.memref_slice %arg3[%squeeze3A_140, %squeeze3A_142, %dma_start3A_156] : memref<125000x8x64xf32, #tpu.memory_space<hbm>> -> memref<1x1x64xf32, #tpu.memory_space<hbm>>
      %dma_start3A_158 = tpu.memref_squeeze %dma_start3A_157 : memref<1x1x64xf32, #tpu.memory_space<hbm>> -> memref<64xf32, #tpu.memory_space<hbm>>
      tpu.enqueue_dma source(%dma_start3A_158 : memref<64xf32, #tpu.memory_space<hbm>>) target(%dma_start3A_155 : memref<64xf32, #tpu.memory_space<vmem>>) target_semaphore(%arg7 : memref<!tpu.dma_semaphore, #tpu.memory_space<semaphore_mem>>)
      %slice3A_159 = vector.extract_strided_slice %shift_right_arithmetic3A_19 {offsets = [7], sizes = [1], strides = [1]} : vector<16xi32> to vector<1xi32>
      %squeeze3A_160 = vector.extract %slice3A_159[0] : i32 from vector<1xi32>
      %slice3A_161 = vector.extract_strided_slice %and3A_21 {offsets = [7], sizes = [1], strides = [1]} : vector<16xi32> to vector<1xi32>
      %squeeze3A_162 = vector.extract %slice3A_161[0] : i32 from vector<1xi32>
      %mul3A_163 = arith.constant 16 : i32
      %mul3A_164 = arith.muli %scan3A_13, %mul3A_163 : i32
      %add3A_165 = arith.constant 7 : i32
      %add3A_166 = arith.addi %mul3A_164, %add3A_165 : i32
      %dma_start3A_167 = arith.constant 0 : i32
      %dma_start3A_168 = tpu.memref_slice %arg6[%add3A_166, %dma_start3A_167] : memref<512x64xf32, #tpu.memory_space<vmem>> -> memref<1x64xf32, #tpu.memory_space<vmem>>
      %dma_start3A_169 = tpu.memref_squeeze %dma_start3A_168 : memref<1x64xf32, #tpu.memory_space<vmem>> -> memref<64xf32, #tpu.memory_space<vmem>>
      %dma_start3A_170 = arith.constant 0 : i32
      %dma_start3A_171 = tpu.memref_slice %arg3[%squeeze3A_160, %squeeze3A_162, %dma_start3A_170] : memref<125000x8x64xf32, #tpu.memory_space<hbm>> -> memref<1x1x64xf32, #tpu.memory_space<hbm>>
      %dma_start3A_172 = tpu.memref_squeeze %dma_start3A_171 : memref<1x1x64xf32, #tpu.memory_space<hbm>> -> memref<64xf32, #tpu.memory_space<hbm>>
      %dma_start3A_173 = arith.constant 0 : i32
      %dma_start3A_174 = tpu.memref_slice %arg6[%add3A_166, %dma_start3A_173] : memref<512x64xf32, #tpu.memory_space<vmem>> -> memref<1x64xf32, #tpu.memory_space<vmem>>
      %dma_start3A_175 = tpu.memref_squeeze %dma_start3A_174 : memref<1x64xf32, #tpu.memory_space<vmem>> -> memref<64xf32, #tpu.memory_space<vmem>>
      %dma_start3A_176 = arith.constant 0 : i32
      %dma_start3A_177 = tpu.memref_slice %arg3[%squeeze3A_160, %squeeze3A_162, %dma_start3A_176] : memref<125000x8x64xf32, #tpu.memory_space<hbm>> -> memref<1x1x64xf32, #tpu.memory_space<hbm>>
      %dma_start3A_178 = tpu.memref_squeeze %dma_start3A_177 : memref<1x1x64xf32, #tpu.memory_space<hbm>> -> memref<64xf32, #tpu.memory_space<hbm>>
      tpu.enqueue_dma source(%dma_start3A_178 : memref<64xf32, #tpu.memory_space<hbm>>) target(%dma_start3A_175 : memref<64xf32, #tpu.memory_space<vmem>>) target_semaphore(%arg7 : memref<!tpu.dma_semaphore, #tpu.memory_space<semaphore_mem>>)
      %slice3A_179 = vector.extract_strided_slice %shift_right_arithmetic3A_19 {offsets = [8], sizes = [1], strides = [1]} : vector<16xi32> to vector<1xi32>
      %squeeze3A_180 = vector.extract %slice3A_179[0] : i32 from vector<1xi32>
      %slice3A_181 = vector.extract_strided_slice %and3A_21 {offsets = [8], sizes = [1], strides = [1]} : vector<16xi32> to vector<1xi32>
      %squeeze3A_182 = vector.extract %slice3A_181[0] : i32 from vector<1xi32>
      %mul3A_183 = arith.constant 16 : i32
      %mul3A_184 = arith.muli %scan3A_13, %mul3A_183 : i32
      %add3A_185 = arith.constant 8 : i32
      %add3A_186 = arith.addi %mul3A_184, %add3A_185 : i32
      %dma_start3A_187 = arith.constant 0 : i32
      %dma_start3A_188 = tpu.memref_slice %arg6[%add3A_186, %dma_start3A_187] : memref<512x64xf32, #tpu.memory_space<vmem>> -> memref<1x64xf32, #tpu.memory_space<vmem>>
      %dma_start3A_189 = tpu.memref_squeeze %dma_start3A_188 : memref<1x64xf32, #tpu.memory_space<vmem>> -> memref<64xf32, #tpu.memory_space<vmem>>
      %dma_start3A_190 = arith.constant 0 : i32
      %dma_start3A_191 = tpu.memref_slice %arg3[%squeeze3A_180, %squeeze3A_182, %dma_start3A_190] : memref<125000x8x64xf32, #tpu.memory_space<hbm>> -> memref<1x1x64xf32, #tpu.memory_space<hbm>>
      %dma_start3A_192 = tpu.memref_squeeze %dma_start3A_191 : memref<1x1x64xf32, #tpu.memory_space<hbm>> -> memref<64xf32, #tpu.memory_space<hbm>>
      %dma_start3A_193 = arith.constant 0 : i32
      %dma_start3A_194 = tpu.memref_slice %arg6[%add3A_186, %dma_start3A_193] : memref<512x64xf32, #tpu.memory_space<vmem>> -> memref<1x64xf32, #tpu.memory_space<vmem>>
      %dma_start3A_195 = tpu.memref_squeeze %dma_start3A_194 : memref<1x64xf32, #tpu.memory_space<vmem>> -> memref<64xf32, #tpu.memory_space<vmem>>
      %dma_start3A_196 = arith.constant 0 : i32
      %dma_start3A_197 = tpu.memref_slice %arg3[%squeeze3A_180, %squeeze3A_182, %dma_start3A_196] : memref<125000x8x64xf32, #tpu.memory_space<hbm>> -> memref<1x1x64xf32, #tpu.memory_space<hbm>>
      %dma_start3A_198 = tpu.memref_squeeze %dma_start3A_197 : memref<1x1x64xf32, #tpu.memory_space<hbm>> -> memref<64xf32, #tpu.memory_space<hbm>>
      tpu.enqueue_dma source(%dma_start3A_198 : memref<64xf32, #tpu.memory_space<hbm>>) target(%dma_start3A_195 : memref<64xf32, #tpu.memory_space<vmem>>) target_semaphore(%arg7 : memref<!tpu.dma_semaphore, #tpu.memory_space<semaphore_mem>>)
      %slice3A_199 = vector.extract_strided_slice %shift_right_arithmetic3A_19 {offsets = [9], sizes = [1], strides = [1]} : vector<16xi32> to vector<1xi32>
      %squeeze3A_200 = vector.extract %slice3A_199[0] : i32 from vector<1xi32>
      %slice3A_201 = vector.extract_strided_slice %and3A_21 {offsets = [9], sizes = [1], strides = [1]} : vector<16xi32> to vector<1xi32>
      %squeeze3A_202 = vector.extract %slice3A_201[0] : i32 from vector<1xi32>
      %mul3A_203 = arith.constant 16 : i32
      %mul3A_204 = arith.muli %scan3A_13, %mul3A_203 : i32
      %add3A_205 = arith.constant 9 : i32
      %add3A_206 = arith.addi %mul3A_204, %add3A_205 : i32
      %dma_start3A_207 = arith.constant 0 : i32
      %dma_start3A_208 = tpu.memref_slice %arg6[%add3A_206, %dma_start3A_207] : memref<512x64xf32, #tpu.memory_space<vmem>> -> memref<1x64xf32, #tpu.memory_space<vmem>>
      %dma_start3A_209 = tpu.memref_squeeze %dma_start3A_208 : memref<1x64xf32, #tpu.memory_space<vmem>> -> memref<64xf32, #tpu.memory_space<vmem>>
      %dma_start3A_210 = arith.constant 0 : i32
      %dma_start3A_211 = tpu.memref_slice %arg3[%squeeze3A_200, %squeeze3A_202, %dma_start3A_210] : memref<125000x8x64xf32, #tpu.memory_space<hbm>> -> memref<1x1x64xf32, #tpu.memory_space<hbm>>
      %dma_start3A_212 = tpu.memref_squeeze %dma_start3A_211 : memref<1x1x64xf32, #tpu.memory_space<hbm>> -> memref<64xf32, #tpu.memory_space<hbm>>
      %dma_start3A_213 = arith.constant 0 : i32
      %dma_start3A_214 = tpu.memref_slice %arg6[%add3A_206, %dma_start3A_213] : memref<512x64xf32, #tpu.memory_space<vmem>> -> memref<1x64xf32, #tpu.memory_space<vmem>>
      %dma_start3A_215 = tpu.memref_squeeze %dma_start3A_214 : memref<1x64xf32, #tpu.memory_space<vmem>> -> memref<64xf32, #tpu.memory_space<vmem>>
      %dma_start3A_216 = arith.constant 0 : i32
      %dma_start3A_217 = tpu.memref_slice %arg3[%squeeze3A_200, %squeeze3A_202, %dma_start3A_216] : memref<125000x8x64xf32, #tpu.memory_space<hbm>> -> memref<1x1x64xf32, #tpu.memory_space<hbm>>
      %dma_start3A_218 = tpu.memref_squeeze %dma_start3A_217 : memref<1x1x64xf32, #tpu.memory_space<hbm>> -> memref<64xf32, #tpu.memory_space<hbm>>
      tpu.enqueue_dma source(%dma_start3A_218 : memref<64xf32, #tpu.memory_space<hbm>>) target(%dma_start3A_215 : memref<64xf32, #tpu.memory_space<vmem>>) target_semaphore(%arg7 : memref<!tpu.dma_semaphore, #tpu.memory_space<semaphore_mem>>)
      %slice3A_219 = vector.extract_strided_slice %shift_right_arithmetic3A_19 {offsets = [10], sizes = [1], strides = [1]} : vector<16xi32> to vector<1xi32>
      %squeeze3A_220 = vector.extract %slice3A_219[0] : i32 from vector<1xi32>
      %slice3A_221 = vector.extract_strided_slice %and3A_21 {offsets = [10], sizes = [1], strides = [1]} : vector<16xi32> to vector<1xi32>
      %squeeze3A_222 = vector.extract %slice3A_221[0] : i32 from vector<1xi32>
      %mul3A_223 = arith.constant 16 : i32
      %mul3A_224 = arith.muli %scan3A_13, %mul3A_223 : i32
      %add3A_225 = arith.constant 10 : i32
      %add3A_226 = arith.addi %mul3A_224, %add3A_225 : i32
      %dma_start3A_227 = arith.constant 0 : i32
      %dma_start3A_228 = tpu.memref_slice %arg6[%add3A_226, %dma_start3A_227] : memref<512x64xf32, #tpu.memory_space<vmem>> -> memref<1x64xf32, #tpu.memory_space<vmem>>
      %dma_start3A_229 = tpu.memref_squeeze %dma_start3A_228 : memref<1x64xf32, #tpu.memory_space<vmem>> -> memref<64xf32, #tpu.memory_space<vmem>>
      %dma_start3A_230 = arith.constant 0 : i32
      %dma_start3A_231 = tpu.memref_slice %arg3[%squeeze3A_220, %squeeze3A_222, %dma_start3A_230] : memref<125000x8x64xf32, #tpu.memory_space<hbm>> -> memref<1x1x64xf32, #tpu.memory_space<hbm>>
      %dma_start3A_232 = tpu.memref_squeeze %dma_start3A_231 : memref<1x1x64xf32, #tpu.memory_space<hbm>> -> memref<64xf32, #tpu.memory_space<hbm>>
      %dma_start3A_233 = arith.constant 0 : i32
      %dma_start3A_234 = tpu.memref_slice %arg6[%add3A_226, %dma_start3A_233] : memref<512x64xf32, #tpu.memory_space<vmem>> -> memref<1x64xf32, #tpu.memory_space<vmem>>
      %dma_start3A_235 = tpu.memref_squeeze %dma_start3A_234 : memref<1x64xf32, #tpu.memory_space<vmem>> -> memref<64xf32, #tpu.memory_space<vmem>>
      %dma_start3A_236 = arith.constant 0 : i32
      %dma_start3A_237 = tpu.memref_slice %arg3[%squeeze3A_220, %squeeze3A_222, %dma_start3A_236] : memref<125000x8x64xf32, #tpu.memory_space<hbm>> -> memref<1x1x64xf32, #tpu.memory_space<hbm>>
      %dma_start3A_238 = tpu.memref_squeeze %dma_start3A_237 : memref<1x1x64xf32, #tpu.memory_space<hbm>> -> memref<64xf32, #tpu.memory_space<hbm>>
      tpu.enqueue_dma source(%dma_start3A_238 : memref<64xf32, #tpu.memory_space<hbm>>) target(%dma_start3A_235 : memref<64xf32, #tpu.memory_space<vmem>>) target_semaphore(%arg7 : memref<!tpu.dma_semaphore, #tpu.memory_space<semaphore_mem>>)
      %slice3A_239 = vector.extract_strided_slice %shift_right_arithmetic3A_19 {offsets = [11], sizes = [1], strides = [1]} : vector<16xi32> to vector<1xi32>
      %squeeze3A_240 = vector.extract %slice3A_239[0] : i32 from vector<1xi32>
      %slice3A_241 = vector.extract_strided_slice %and3A_21 {offsets = [11], sizes = [1], strides = [1]} : vector<16xi32> to vector<1xi32>
      %squeeze3A_242 = vector.extract %slice3A_241[0] : i32 from vector<1xi32>
      %mul3A_243 = arith.constant 16 : i32
      %mul3A_244 = arith.muli %scan3A_13, %mul3A_243 : i32
      %add3A_245 = arith.constant 11 : i32
      %add3A_246 = arith.addi %mul3A_244, %add3A_245 : i32
      %dma_start3A_247 = arith.constant 0 : i32
      %dma_start3A_248 = tpu.memref_slice %arg6[%add3A_246, %dma_start3A_247] : memref<512x64xf32, #tpu.memory_space<vmem>> -> memref<1x64xf32, #tpu.memory_space<vmem>>
      %dma_start3A_249 = tpu.memref_squeeze %dma_start3A_248 : memref<1x64xf32, #tpu.memory_space<vmem>> -> memref<64xf32, #tpu.memory_space<vmem>>
      %dma_start3A_250 = arith.constant 0 : i32
      %dma_start3A_251 = tpu.memref_slice %arg3[%squeeze3A_240, %squeeze3A_242, %dma_start3A_250] : memref<125000x8x64xf32, #tpu.memory_space<hbm>> -> memref<1x1x64xf32, #tpu.memory_space<hbm>>
      %dma_start3A_252 = tpu.memref_squeeze %dma_start3A_251 : memref<1x1x64xf32, #tpu.memory_space<hbm>> -> memref<64xf32, #tpu.memory_space<hbm>>
      %dma_start3A_253 = arith.constant 0 : i32
      %dma_start3A_254 = tpu.memref_slice %arg6[%add3A_246, %dma_start3A_253] : memref<512x64xf32, #tpu.memory_space<vmem>> -> memref<1x64xf32, #tpu.memory_space<vmem>>
      %dma_start3A_255 = tpu.memref_squeeze %dma_start3A_254 : memref<1x64xf32, #tpu.memory_space<vmem>> -> memref<64xf32, #tpu.memory_space<vmem>>
      %dma_start3A_256 = arith.constant 0 : i32
      %dma_start3A_257 = tpu.memref_slice %arg3[%squeeze3A_240, %squeeze3A_242, %dma_start3A_256] : memref<125000x8x64xf32, #tpu.memory_space<hbm>> -> memref<1x1x64xf32, #tpu.memory_space<hbm>>
      %dma_start3A_258 = tpu.memref_squeeze %dma_start3A_257 : memref<1x1x64xf32, #tpu.memory_space<hbm>> -> memref<64xf32, #tpu.memory_space<hbm>>
      tpu.enqueue_dma source(%dma_start3A_258 : memref<64xf32, #tpu.memory_space<hbm>>) target(%dma_start3A_255 : memref<64xf32, #tpu.memory_space<vmem>>) target_semaphore(%arg7 : memref<!tpu.dma_semaphore, #tpu.memory_space<semaphore_mem>>)
      %slice3A_259 = vector.extract_strided_slice %shift_right_arithmetic3A_19 {offsets = [12], sizes = [1], strides = [1]} : vector<16xi32> to vector<1xi32>
      %squeeze3A_260 = vector.extract %slice3A_259[0] : i32 from vector<1xi32>
      %slice3A_261 = vector.extract_strided_slice %and3A_21 {offsets = [12], sizes = [1], strides = [1]} : vector<16xi32> to vector<1xi32>
      %squeeze3A_262 = vector.extract %slice3A_261[0] : i32 from vector<1xi32>
      %mul3A_263 = arith.constant 16 : i32
      %mul3A_264 = arith.muli %scan3A_13, %mul3A_263 : i32
      %add3A_265 = arith.constant 12 : i32
      %add3A_266 = arith.addi %mul3A_264, %add3A_265 : i32
      %dma_start3A_267 = arith.constant 0 : i32
      %dma_start3A_268 = tpu.memref_slice %arg6[%add3A_266, %dma_start3A_267] : memref<512x64xf32, #tpu.memory_space<vmem>> -> memref<1x64xf32, #tpu.memory_space<vmem>>
      %dma_start3A_269 = tpu.memref_squeeze %dma_start3A_268 : memref<1x64xf32, #tpu.memory_space<vmem>> -> memref<64xf32, #tpu.memory_space<vmem>>
      %dma_start3A_270 = arith.constant 0 : i32
      %dma_start3A_271 = tpu.memref_slice %arg3[%squeeze3A_260, %squeeze3A_262, %dma_start3A_270] : memref<125000x8x64xf32, #tpu.memory_space<hbm>> -> memref<1x1x64xf32, #tpu.memory_space<hbm>>
      %dma_start3A_272 = tpu.memref_squeeze %dma_start3A_271 : memref<1x1x64xf32, #tpu.memory_space<hbm>> -> memref<64xf32, #tpu.memory_space<hbm>>
      %dma_start3A_273 = arith.constant 0 : i32
      %dma_start3A_274 = tpu.memref_slice %arg6[%add3A_266, %dma_start3A_273] : memref<512x64xf32, #tpu.memory_space<vmem>> -> memref<1x64xf32, #tpu.memory_space<vmem>>
      %dma_start3A_275 = tpu.memref_squeeze %dma_start3A_274 : memref<1x64xf32, #tpu.memory_space<vmem>> -> memref<64xf32, #tpu.memory_space<vmem>>
      %dma_start3A_276 = arith.constant 0 : i32
      %dma_start3A_277 = tpu.memref_slice %arg3[%squeeze3A_260, %squeeze3A_262, %dma_start3A_276] : memref<125000x8x64xf32, #tpu.memory_space<hbm>> -> memref<1x1x64xf32, #tpu.memory_space<hbm>>
      %dma_start3A_278 = tpu.memref_squeeze %dma_start3A_277 : memref<1x1x64xf32, #tpu.memory_space<hbm>> -> memref<64xf32, #tpu.memory_space<hbm>>
      tpu.enqueue_dma source(%dma_start3A_278 : memref<64xf32, #tpu.memory_space<hbm>>) target(%dma_start3A_275 : memref<64xf32, #tpu.memory_space<vmem>>) target_semaphore(%arg7 : memref<!tpu.dma_semaphore, #tpu.memory_space<semaphore_mem>>)
      %slice3A_279 = vector.extract_strided_slice %shift_right_arithmetic3A_19 {offsets = [13], sizes = [1], strides = [1]} : vector<16xi32> to vector<1xi32>
      %squeeze3A_280 = vector.extract %slice3A_279[0] : i32 from vector<1xi32>
      %slice3A_281 = vector.extract_strided_slice %and3A_21 {offsets = [13], sizes = [1], strides = [1]} : vector<16xi32> to vector<1xi32>
      %squeeze3A_282 = vector.extract %slice3A_281[0] : i32 from vector<1xi32>
      %mul3A_283 = arith.constant 16 : i32
      %mul3A_284 = arith.muli %scan3A_13, %mul3A_283 : i32
      %add3A_285 = arith.constant 13 : i32
      %add3A_286 = arith.addi %mul3A_284, %add3A_285 : i32
      %dma_start3A_287 = arith.constant 0 : i32
      %dma_start3A_288 = tpu.memref_slice %arg6[%add3A_286, %dma_start3A_287] : memref<512x64xf32, #tpu.memory_space<vmem>> -> memref<1x64xf32, #tpu.memory_space<vmem>>
      %dma_start3A_289 = tpu.memref_squeeze %dma_start3A_288 : memref<1x64xf32, #tpu.memory_space<vmem>> -> memref<64xf32, #tpu.memory_space<vmem>>
      %dma_start3A_290 = arith.constant 0 : i32
      %dma_start3A_291 = tpu.memref_slice %arg3[%squeeze3A_280, %squeeze3A_282, %dma_start3A_290] : memref<125000x8x64xf32, #tpu.memory_space<hbm>> -> memref<1x1x64xf32, #tpu.memory_space<hbm>>
      %dma_start3A_292 = tpu.memref_squeeze %dma_start3A_291 : memref<1x1x64xf32, #tpu.memory_space<hbm>> -> memref<64xf32, #tpu.memory_space<hbm>>
      %dma_start3A_293 = arith.constant 0 : i32
      %dma_start3A_294 = tpu.memref_slice %arg6[%add3A_286, %dma_start3A_293] : memref<512x64xf32, #tpu.memory_space<vmem>> -> memref<1x64xf32, #tpu.memory_space<vmem>>
      %dma_start3A_295 = tpu.memref_squeeze %dma_start3A_294 : memref<1x64xf32, #tpu.memory_space<vmem>> -> memref<64xf32, #tpu.memory_space<vmem>>
      %dma_start3A_296 = arith.constant 0 : i32
      %dma_start3A_297 = tpu.memref_slice %arg3[%squeeze3A_280, %squeeze3A_282, %dma_start3A_296] : memref<125000x8x64xf32, #tpu.memory_space<hbm>> -> memref<1x1x64xf32, #tpu.memory_space<hbm>>
      %dma_start3A_298 = tpu.memref_squeeze %dma_start3A_297 : memref<1x1x64xf32, #tpu.memory_space<hbm>> -> memref<64xf32, #tpu.memory_space<hbm>>
      tpu.enqueue_dma source(%dma_start3A_298 : memref<64xf32, #tpu.memory_space<hbm>>) target(%dma_start3A_295 : memref<64xf32, #tpu.memory_space<vmem>>) target_semaphore(%arg7 : memref<!tpu.dma_semaphore, #tpu.memory_space<semaphore_mem>>)
      %slice3A_299 = vector.extract_strided_slice %shift_right_arithmetic3A_19 {offsets = [14], sizes = [1], strides = [1]} : vector<16xi32> to vector<1xi32>
      %squeeze3A_300 = vector.extract %slice3A_299[0] : i32 from vector<1xi32>
      %slice3A_301 = vector.extract_strided_slice %and3A_21 {offsets = [14], sizes = [1], strides = [1]} : vector<16xi32> to vector<1xi32>
      %squeeze3A_302 = vector.extract %slice3A_301[0] : i32 from vector<1xi32>
      %mul3A_303 = arith.constant 16 : i32
      %mul3A_304 = arith.muli %scan3A_13, %mul3A_303 : i32
      %add3A_305 = arith.constant 14 : i32
      %add3A_306 = arith.addi %mul3A_304, %add3A_305 : i32
      %dma_start3A_307 = arith.constant 0 : i32
      %dma_start3A_308 = tpu.memref_slice %arg6[%add3A_306, %dma_start3A_307] : memref<512x64xf32, #tpu.memory_space<vmem>> -> memref<1x64xf32, #tpu.memory_space<vmem>>
      %dma_start3A_309 = tpu.memref_squeeze %dma_start3A_308 : memref<1x64xf32, #tpu.memory_space<vmem>> -> memref<64xf32, #tpu.memory_space<vmem>>
      %dma_start3A_310 = arith.constant 0 : i32
      %dma_start3A_311 = tpu.memref_slice %arg3[%squeeze3A_300, %squeeze3A_302, %dma_start3A_310] : memref<125000x8x64xf32, #tpu.memory_space<hbm>> -> memref<1x1x64xf32, #tpu.memory_space<hbm>>
      %dma_start3A_312 = tpu.memref_squeeze %dma_start3A_311 : memref<1x1x64xf32, #tpu.memory_space<hbm>> -> memref<64xf32, #tpu.memory_space<hbm>>
      %dma_start3A_313 = arith.constant 0 : i32
      %dma_start3A_314 = tpu.memref_slice %arg6[%add3A_306, %dma_start3A_313] : memref<512x64xf32, #tpu.memory_space<vmem>> -> memref<1x64xf32, #tpu.memory_space<vmem>>
      %dma_start3A_315 = tpu.memref_squeeze %dma_start3A_314 : memref<1x64xf32, #tpu.memory_space<vmem>> -> memref<64xf32, #tpu.memory_space<vmem>>
      %dma_start3A_316 = arith.constant 0 : i32
      %dma_start3A_317 = tpu.memref_slice %arg3[%squeeze3A_300, %squeeze3A_302, %dma_start3A_316] : memref<125000x8x64xf32, #tpu.memory_space<hbm>> -> memref<1x1x64xf32, #tpu.memory_space<hbm>>
      %dma_start3A_318 = tpu.memref_squeeze %dma_start3A_317 : memref<1x1x64xf32, #tpu.memory_space<hbm>> -> memref<64xf32, #tpu.memory_space<hbm>>
      tpu.enqueue_dma source(%dma_start3A_318 : memref<64xf32, #tpu.memory_space<hbm>>) target(%dma_start3A_315 : memref<64xf32, #tpu.memory_space<vmem>>) target_semaphore(%arg7 : memref<!tpu.dma_semaphore, #tpu.memory_space<semaphore_mem>>)
      %slice3A_319 = vector.extract_strided_slice %shift_right_arithmetic3A_19 {offsets = [15], sizes = [1], strides = [1]} : vector<16xi32> to vector<1xi32>
      %squeeze3A_320 = vector.extract %slice3A_319[0] : i32 from vector<1xi32>
      %slice3A_321 = vector.extract_strided_slice %and3A_21 {offsets = [15], sizes = [1], strides = [1]} : vector<16xi32> to vector<1xi32>
      %squeeze3A_322 = vector.extract %slice3A_321[0] : i32 from vector<1xi32>
      %mul3A_323 = arith.constant 16 : i32
      %mul3A_324 = arith.muli %scan3A_13, %mul3A_323 : i32
      %add3A_325 = arith.constant 15 : i32
      %add3A_326 = arith.addi %mul3A_324, %add3A_325 : i32
      %dma_start3A_327 = arith.constant 0 : i32
      %dma_start3A_328 = tpu.memref_slice %arg6[%add3A_326, %dma_start3A_327] : memref<512x64xf32, #tpu.memory_space<vmem>> -> memref<1x64xf32, #tpu.memory_space<vmem>>
      %dma_start3A_329 = tpu.memref_squeeze %dma_start3A_328 : memref<1x64xf32, #tpu.memory_space<vmem>> -> memref<64xf32, #tpu.memory_space<vmem>>
      %dma_start3A_330 = arith.constant 0 : i32
      %dma_start3A_331 = tpu.memref_slice %arg3[%squeeze3A_320, %squeeze3A_322, %dma_start3A_330] : memref<125000x8x64xf32, #tpu.memory_space<hbm>> -> memref<1x1x64xf32, #tpu.memory_space<hbm>>
      %dma_start3A_332 = tpu.memref_squeeze %dma_start3A_331 : memref<1x1x64xf32, #tpu.memory_space<hbm>> -> memref<64xf32, #tpu.memory_space<hbm>>
      %dma_start3A_333 = arith.constant 0 : i32
      %dma_start3A_334 = tpu.memref_slice %arg6[%add3A_326, %dma_start3A_333] : memref<512x64xf32, #tpu.memory_space<vmem>> -> memref<1x64xf32, #tpu.memory_space<vmem>>
      %dma_start3A_335 = tpu.memref_squeeze %dma_start3A_334 : memref<1x64xf32, #tpu.memory_space<vmem>> -> memref<64xf32, #tpu.memory_space<vmem>>
      %dma_start3A_336 = arith.constant 0 : i32
      %dma_start3A_337 = tpu.memref_slice %arg3[%squeeze3A_320, %squeeze3A_322, %dma_start3A_336] : memref<125000x8x64xf32, #tpu.memory_space<hbm>> -> memref<1x1x64xf32, #tpu.memory_space<hbm>>
      %dma_start3A_338 = tpu.memref_squeeze %dma_start3A_337 : memref<1x1x64xf32, #tpu.memory_space<hbm>> -> memref<64xf32, #tpu.memory_space<hbm>>
      tpu.enqueue_dma source(%dma_start3A_338 : memref<64xf32, #tpu.memory_space<hbm>>) target(%dma_start3A_335 : memref<64xf32, #tpu.memory_space<vmem>>) target_semaphore(%arg7 : memref<!tpu.dma_semaphore, #tpu.memory_space<semaphore_mem>>)
    }
    %scan3A_7 = arith.constant 32 : i32
    %dma_wait3A = arith.constant 0 : i32
    %dma_wait3A_8 = arith.constant 0 : i32
    %dma_wait3A_9 = tpu.memref_slice %arg4[%dma_wait3A, %dma_wait3A_8] : memref<16384x64xf32, #tpu.memory_space<hbm>> -> memref<512x64xf32, #tpu.memory_space<hbm>>
    %dma_wait3A_10 = arith.constant 0 : i32
    %dma_wait3A_11 = arith.constant 0 : i32
    %dma_wait3A_12 = tpu.memref_slice %arg4[%dma_wait3A_10, %dma_wait3A_11] : memref<16384x64xf32, #tpu.memory_space<hbm>> -> memref<512x64xf32, #tpu.memory_space<hbm>>
    tpu.wait_dma2 semaphore(%arg7 : memref<!tpu.dma_semaphore, #tpu.memory_space<semaphore_mem>>) src(%dma_wait3A_12 : memref<512x64xf32, #tpu.memory_space<hbm>>) dst(%arg6 : memref<512x64xf32, #tpu.memory_space<vmem>>)
    "tpu.region"() ({
      %run_scoped3A = tpu.sem_alloc : memref<!tpu.dma_semaphore, #tpu.memory_space<semaphore_mem>>
      %dma_start3A = arith.constant 0 : i32
      %dma_start3A_13 = tpu.memref_slice %arg4[%mul3A_2, %dma_start3A] : memref<16384x64xf32, #tpu.memory_space<hbm>> -> memref<512x64xf32, #tpu.memory_space<hbm>>
      %dma_start3A_14 = arith.constant 0 : i32
      %dma_start3A_15 = tpu.memref_slice %arg4[%mul3A_2, %dma_start3A_14] : memref<16384x64xf32, #tpu.memory_space<hbm>> -> memref<512x64xf32, #tpu.memory_space<hbm>>
      tpu.enqueue_dma source(%arg6 : memref<512x64xf32, #tpu.memory_space<vmem>>) target(%dma_start3A_15 : memref<512x64xf32, #tpu.memory_space<hbm>>) target_semaphore(%run_scoped3A : memref<!tpu.dma_semaphore, #tpu.memory_space<semaphore_mem>>)
      %dma_wait3A_16 = arith.constant 0 : i32
      %dma_wait3A_17 = tpu.memref_slice %arg4[%mul3A_2, %dma_wait3A_16] : memref<16384x64xf32, #tpu.memory_space<hbm>> -> memref<512x64xf32, #tpu.memory_space<hbm>>
      %dma_wait3A_18 = arith.constant 0 : i32
      %dma_wait3A_19 = tpu.memref_slice %arg4[%mul3A_2, %dma_wait3A_18] : memref<16384x64xf32, #tpu.memory_space<hbm>> -> memref<512x64xf32, #tpu.memory_space<hbm>>
      tpu.wait_dma2 semaphore(%run_scoped3A : memref<!tpu.dma_semaphore, #tpu.memory_space<semaphore_mem>>) src(%arg6 : memref<512x64xf32, #tpu.memory_space<vmem>>) dst(%dma_wait3A_19 : memref<512x64xf32, #tpu.memory_space<hbm>>)
      tpu.yield
    }) : () -> ()
    return
  }
}

</mosaic_0001>

<sc_bundles>
// kernel: _gather.3.cloned.1.call-start
scs
__scs_entry_jumppad:
0x0: {  	(pc) =	sbr.rel $0x88, $3  }
0x1: {  	(tag) =	ssettag $0x0;
	lr =	simm.s32 $0x1  }
0x2: {  	[smem:$0x3F9F] =	sst lr;
	_ =	strace $0xD0000000  }
0x3: {  	_ = 	snop  }
0x4: {  	_ = 	snop  }
0x5: {  	_ = 	snop  }
0x6: {  	_ = 	snop  }
0x7: {  	_ = 	snop  }
__scs_overlays_trampoline_lowered:
0x8: {  	[smem:$0x3FAE] =	sst s0  }
0x9: {  	[smem:$0x3FAF] =	sst s1  }
0xa: {  	[smem:$0x3FB0] =	sst s2  }
0xb: {  	[smem:$0x3FB1] =	sst s3  }
0xc: {  	[smem:$0x3FB2] =	sst s4  }
0xd: {  	[smem:$0x3FB3] =	sst s5  }
0xe: {  	[smem:$0x3FB4] =	sst s6  }
0xf: {  	[smem:$0x3FB5] =	sst s7  }
0x10: {  	[smem:$0x3FB6] =	sst s8  }
0x11: {  	[smem:$0x3FB7] =	sst s9;
	s0 =	simm.s32 @!p0 $0x0  }
0x12: {  	s1 =	sld [smem:$0x3F9D];
	s0 =	simm.s32 @p0 $0x1  }
0x13: {  	[smem:$0x3FB8] =	sst s0;
	s0 =	simm.s32 @!p1 $0x0  }
0x14: {  	s2 =	sld [smem:$0x3F9C];
	s0 =	simm.s32 @p1 $0x1  }
0x15: {  	[smem:$0x3FB9] =	sst s0;
	s0 =	simm.s32 @!p2 $0x0  }
0x16: {  	s3 =	sld [smem:$0x3FDB];
	s0 =	simm.s32 @p2 $0x1  }
0x17: {  	s4 =	simm.s32 $0x1BF5;
	[smem:$0x3FBB] =	sst s0  }
0x18: {  	s0 =	sld [smem:$0x3F9E];
	_ =	swait.ge [sflag:s4], $0x0  }
0x19: {  	s7 =	sld [smem:$0x3F9F]  }
0x1a: {  	s8 =	sadd.s32 $0xFFFFE003, lr  }
0x1b: {  	s9 =	sadd.s32 $0xFFFFFEF7, lr;
	s5 =	simm.s32 $0xFFFFFFFF;
	p2 =	slt.u32 s8, $0xFFFFF086  }
0x1c: {  	p1 =	slt.u32 s9, $0xF7A;
	s5 =	simm.s32 @!p2 $0x0  }
0x1d: {  	s5 =	simm.s32 @p1 $0x1;
	p0 =	seq.s32 s7, s2  }
0x1e: {  	s7 =	smul.u32 @!p0 $0xF7A, s2;
	p2 =	seq.s32 @!p0 s5, $0x0  }
0x1f: {  	s9 =	smul.u32 $0xF7A, s1;
	s8 =	simm.s32 @!p0 $0x1BF5;
	p2 =	por !p2, p0  }
0x20: {  	[sflag:s8] =	ssyncset.s32 @!p0 $0xFFFFF086;
	s6 =	sadd.s32 @!p0 s3, s7;
	s7 =	simm.s32 @!p0 $0x108  }
0x21: {  	s3 =	sadd.s32 s3, s9;
	s6 =	sadd.s32 @!p0 $0x88, s6;
	s7 =	simm.s32 @p2 $0x1082  }
0x22: {  	[simem:s7], [sflag:s8] =	dma.local @!p0 [hbm:s6], $0xF7A  }
0x23: {  	s9 =	sor.u32 $0xD0000000, s2;
	s6 =	simm.s32 $0x108;
	_ =	swait.ge @!p0 [sflag:s8], $0x0  }
0x24: {  	s3 =	sadd.s32 $0x88, s3;
	s6 =	simm.s32 @!p1 $0x1082;
	[sflag:s4] =	ssyncset.s32 $0xFFFFF086  }
0x25: {  	[simem:s6], [sflag:s4] =	dma.local [hbm:s3], $0xF7A  }
0x26: {  	[smem:$0x3F9F] =	sst s1;
	(tag) =	ssettag s2;
	_ =	strace s9  }
0x27: {  	s1 =	sld [smem:$0x3FAF]  }
0x28: {  	s2 =	sld [smem:$0x3FB0]  }
0x29: {  	s4 =	sld [smem:$0x3FB2]  }
0x2a: {  	p0 =	seq.s32 s5, $0x0;
	s5 =	sld [smem:$0x3FB3]  }
0x2b: {  	s6 =	sld [smem:$0x3FB4]  }
0x2c: {  	s7 =	sld [smem:$0x3FB5]  }
0x2d: {  	s3 =	simm.s32 $0x108;
	s8 =	sld [smem:$0x3FB6]  }
0x2e: {  	s3 =	simm.s32 @!p0 $0x1082;
	s9 =	sld [smem:$0x3FB7]  }
0x2f: {  	lr =	sadd.s32 s0, s3;
	s0 =	sld [smem:$0x3FAE]  }
0x30: {  	s3 =	sld [smem:$0x3FB1]  }
0x31: {  	[smem:$0x3FBA] =	sst s10  }
0x32: {  	s10 =	sld [smem:$0x3FB8];
	_ =	sdelay $0x3  }
0x33: {  	p0 =	seq.s32 s10, $0x1;
	s10 =	sld [smem:$0x3FBA];
	_ =	sdelay $0x3  }
0x34: {  	[smem:$0x3FBA] =	sst s10  }
0x35: {  	s10 =	sld [smem:$0x3FB9];
	_ =	sdelay $0x3  }
0x36: {  	p1 =	seq.s32 s10, $0x1;
	s10 =	sld [smem:$0x3FBA];
	_ =	sdelay $0x3  }
0x37: {  	[smem:$0x3FBA] =	sst s10  }
0x38: {  	s10 =	sld [smem:$0x3FBB]  }
0x39: {  	_ = 	snop;
	(pc) =	sbr.ind lr, $3  }
0x3a: {  	_ = 	snop  }
0x3b: {  	_ = 	snop  }
0x3c: {  	p2 =	seq.s32 s10, $0x1;
	s10 =	sld [smem:$0x3FBA]  }
0x3d: {  	_ =	shalt  }
0x3e: {  	_ =	shalt  }
0x3f: {  	_ =	shalt  }
0x40: {  	_ =	shalt  }
0x41: {  	_ =	shalt  }
0x42: {  	_ =	shalt  }
0x43: {  	_ =	shalt  }
0x44: {  	_ =	shalt  }
0x45: {  	_ =	shalt  }
0x46: {  	_ =	shalt  }
0x47: {  	_ =	shalt  }
0x48: {  	_ =	shalt  }
0x49: {  	_ =	shalt  }
0x4a: {  	_ =	shalt  }
0x4b: {  	_ =	shalt  }
0x4c: {  	_ =	shalt  }
0x4d: {  	_ =	shalt  }
0x4e: {  	_ =	shalt  }
0x4f: {  	_ =	shalt  }
0x50: {  	_ =	shalt  }
0x51: {  	_ =	shalt  }
0x52: {  	_ =	shalt  }
0x53: {  	_ =	shalt  }
0x54: {  	_ =	shalt  }
0x55: {  	_ =	shalt  }
0x56: {  	_ =	shalt  }
0x57: {  	_ =	shalt  }
0x58: {  	_ =	shalt  }
0x59: {  	_ =	shalt  }
0x5a: {  	_ =	shalt  }
0x5b: {  	_ =	shalt  }
0x5c: {  	_ =	shalt  }
0x5d: {  	_ =	shalt  }
0x5e: {  	_ =	shalt  }
0x5f: {  	_ =	shalt  }
0x60: {  	_ =	shalt  }
0x61: {  	_ =	shalt  }
0x62: {  	_ =	shalt  }
0x63: {  	_ =	shalt  }
0x64: {  	_ =	shalt  }
0x65: {  	_ =	shalt  }
0x66: {  	_ =	shalt  }
0x67: {  	_ =	shalt  }
0x68: {  	_ =	shalt  }
0x69: {  	_ =	shalt  }
0x6a: {  	_ =	shalt  }
0x6b: {  	_ =	shalt  }
0x6c: {  	_ =	shalt  }
0x6d: {  	_ =	shalt  }
0x6e: {  	_ =	shalt  }
0x6f: {  	_ =	shalt  }
0x70: {  	_ =	shalt  }
0x71: {  	_ =	shalt  }
0x72: {  	_ =	shalt  }
0x73: {  	_ =	shalt  }
0x74: {  	_ =	shalt  }
0x75: {  	_ =	shalt  }
0x76: {  	_ =	shalt  }
0x77: {  	_ =	shalt  }
0x78: {  	_ =	shalt  }
0x79: {  	_ =	shalt  }
0x7a: {  	_ =	shalt  }
0x7b: {  	_ =	shalt  }
0x7c: {  	_ =	shalt  }
0x7d: {  	_ =	shalt  }
0x7e: {  	_ =	shalt  }
0x7f: {  	_ =	shalt  }
0x80: {  	_ =	shalt  }
0x81: {  	_ =	shalt  }
0x82: {  	_ =	shalt  }
0x83: {  	_ =	shalt  }
0x84: {  	_ =	shalt  }
0x85: {  	_ =	shalt  }
0x86: {  	_ =	shalt  }
0x87: {  	_ =	shalt  }
.Lfunc_end0:
.L_simem_size_0:
called_computation_lowered:
.L_overlay_start_0:
0x88: {  	s2 =	sld [smem:$0x3FD9]  }
0x89: {  	s3 =	sld [smem:$0x3FFE];
	_ =	sdelay $0x1  }
0x8a: {  	s1 =	srdreg.scid  }
0x8b: {  	s0 =	sand.u32 $0x1, s1  }
0x8c: {  	s17 =	sshll.u32 s0, $0xA;
	s2 =	sadd.s32 s3, s2  }
0x8d: {  	s2 =	sadd.s32 s2, s17  }
0x8e: {  	[smem:$0x3FC6] =	sst s2  }
0x8f: {  	_ = 	snop  }
0x90: {  	s2 =	sld [smem:$0x3FC9];
	(tm) =	ssettm $0x1  }
0x91: {  	s18 =	sld [smem:$0x3FFB];
	_ =	sdelay $0x3  }
0x92: {  	_ =	strace s18  }
0x93: {  	s3 =	sld [smem:$0x3FFC];
	_ =	sdelay $0x3  }
0x94: {  	_ =	strace s3  }
0x95: {  	s3 =	sld [smem:$0x3FFD];
	_ =	sdelay $0x3  }
0x96: {  	_ =	strace s3  }
0x97: {  	_ =	strace $0x8FFFFFFF  }
0x98: {  	s19 =	sld [smem:$0x3FDB];
	_ =	sdelay $0x1  }
0x99: {  	s4 =	simm.s32 $_scs_section_size  }
0x9a: {  	s5 =	simm.s32 $_size__tile_overlayer_lowered;
	s6 =	simm.s32 $_tile_overlayer_lowered  }
0x9b: {  	s22 =	simm.s32 $0x1BFF;
	s21 =	sshll.u32 s6, $0x1;
	s3 =	sadd.s32 s4, s19  }
0x9c: {  	s7 =	simm.s32 $0x0;
	s20 =	sshll.u32 s5, $0x1;
	s5 =	sadd.s32 s21, s3  }
0x9d: {  	[timem:s7], [sflag:s22] =	dma.local [hbm:s5], s20  }
0x9e: {  	_ =	swait.ge [sflag:s22], s20  }
0x9f: {  	s4 =	ssub.s32 $0x0, s20;
	[sflag:s22] =	ssyncset.done $0x0  }
0xa0: {  	[sflag:s22] =	ssyncadd.s32 s4;
	_ =	sdelay $0x1  }
0xa1: {  	s23 =	simm.s32 $0x1B8B  }
0xa2: {  	_ =	swait.ge [sflag:s23], $0x1  }
0xa3: {  	[sflag:s23] =	ssyncset.done $0x0  }
0xa4: {  	s25 =	simm.s32 $0x1B8E;
	s24 =	sld [smem:$0x3FFE];
	[sflag:s23] =	ssyncadd.s32 $0xFFFFFFFF  }
0xa5: {  	s26 =	simm.s32 $execute0_lowered;
	[smem:$0x3FD2] =	sst s25  }
0xa6: {  	s5 =	sshll.u32 s26, $0x1;
	_ =	strace $0x80000046;
	[dreg:$0x1] =	wrdreg $0xFFFFFFFF  }
0xa7: {  	s28 =	simm.s32 $_size_execute0_lowered;
	s3 =	sadd.s32 s3, s5;
	[dreg:$0x0] =	wrdreg $0x0  }
0xa8: {  	s5 =	sshll.u32 s28, $0x1;
	[dreg:$0x2] =	wrdreg s3  }
0xa9: {  	[dreg:$0x3] =	wrdreg s5  }
0xaa: {  	[dreg:$0x4] =	wrdreg $0xC0  }
0xab: {  	_ =	task [dreg:s7], $0x5FFFF  }
0xac: {  	[dreg:$0x1] =	wrdreg $0xFFFFFFFF  }
0xad: {  	[dreg:$0x0] =	wrdreg $0x60  }
0xae: {  	[dreg:$0x2] =	wrdreg s2  }
0xaf: {  	[dreg:$0x3] =	wrdreg s24  }
0xb0: {  	[dreg:$0x4] =	wrdreg $0x9  }
0xb1: {  	_ =	task.clear_ibuf [dreg:s7], $0x5FFFF;
	_ =	strace $0x90000046  }
0xb2: {  	s29 =	simm.s32 $0x9;
	_ =	strace $0x80000048  }
0xb3: {  	_ =	swait.ge [sflag:s29], $0x1  }
0xb4: {  	[sflag:s29] =	ssyncadd.s32 $0xFFFFFFFF  }
0xb5: {  	_ =	strace $0x90000048  }
0xb6: {  	_ =	sfence  }
0xb7: {  	s30 =	sld [smem:$0x0];
	_ =	sdelay $0x2  }
0xb8: {  	s31 =	sshll.u32 s1, $0xD;
	s1 =	sshrl.u32 s1, $0x2  }
0xb9: {  	s3 =	sand.u32 $0x4000, s31;
	s1 =	sadd.s32 s1, s30  }
0xba: {  	s0 =	sor.u32 s3, s0;
	s1 =	sshll.u32 s1, $0x11  }
0xbb: {  	s0 =	sor.u32 s1, s0  }
0xbc: {  	s0 =	sadd.s32 $0x8F2B, s0  }
0xbd: {  	[sflag:s0] =	ssyncadd.remote.s32 $0x1  }
0xbe: {  	_ =	sfence.sel $0xFFFF  }
0xbf: {  	[dreg:$0x0] =	wrdreg $0xFFFFFFFF;
	(pc) =	sbr.abs _section_cstart, $3  }
0xc0: {  	[dreg:$0x1] =	wrdreg $0xFFFFFFFF  }
0xc1: {  	_ =	task.clear_ibuf [dreg:s7], $0x2FFFF;
	_ =	strace $0x9FFFFFFF  }
0xc2: {  	(tm) =	ssettm $0x7FFFFFFF  }
0xc3: {  	_ =	shalt  }
tec
execute0_lowered:
.L_overlay_start_1:
0x0: {  	(tag) =	ssettag $0x1  }
0x1: {  	s4 =	rddreg [dreg:$0x0]  }
0x2: {  	s5 =	rddreg [dreg:$0x1]  }
0x3: {  	s0 =	rddreg [dreg:$0x2];
	s3 =	srdreg.scid  }
0x4: {  	s1 =	stileid.u32;
	s2 =	simm.s32 $0x0;
	s10 =	simm.s32 $0x1  }
0x5: {  	s11 =	simm.s32 $0x200;
	s12 =	simm.s32 $0x0;
	s6 =	sand.u32 $0x1, s3  }
0x6: {  	s30 =	sshll.u32 s1, $0x1;
	[smem:$0x7FF] =	sst s2;
	s3 =	sadd.s32 $0x400, s5  }
0x7: {  	s31 =	sshll.u32 s1, $0x7;
	s7 =	sor.u32 s6, s30;
	s6 =	ssub.s32 $0x2, s6  }
0x8: {  	_ =	strace $0x80000047;
	s8 =	sshll.u32 s7, $0xD;
	s9 =	sshrl.u32 s6, $0x1  }
0x9: {  	s7 =	sshll.u32 s7, $0x4;
	s5 =	sadd.s32 s8, s5;
	s8 =	sand.u32 $0x600, s31  }
0xa: {  	s6 =	ssub.s32 s6, s9;
	s7 =	sand.u32 $0x70, s7;
	s9 =	simm.s32 $0x2  }
0xb: {  	s4 =	sadd.s32 s4, s8;
	s5 =	sadd.s32 $0xF42800, s5;
	s6 =	smax.u32 s6, $0x1  }
0xc: {  	s8 =	simm.s32 $0x400;
	s4 =	sadd.s32 s7, s4;
	s7 =	simm.s32 $0x80  }
.LBB2_1:
0xd: {  	[tilespmem:s2], [sflag:$0x2] =	stream.strided.gather [hbm4b:s4+s7], $0x200, s8, s7, $0x38;
	[tilespmem:$0x10200] =	vst v63  }
0xe: {  	_ =	swait.ge [sflag:s9], $0x200  }
0xf: {  	[sflag:s9] =	ssyncset.done $0x0  }
0x10: {  	s13 =	simm.s32 $0x0;
	s14 =	simm.s32 $0x0;
	[sflag:s9] =	ssyncadd.s32 $0xFFFFFE00  }
.LBB2_2:
0x11: {  	v0 =	vld [tilespmem:s13+$0x0];
	_ =	sdelay $0x4  }
0x12: {  	v1 =	vshrl.u32 v0, $0x3  }
0x13: {  	v0 =	vand.u32 $0x7, v0;
	v1 =	vshll.u32 v1, $0xA  }
0x14: {  	v0 =	vshll.u32 v0, $0x7;
	(v2sf) =	vpush v1, $0x0  }
0x15: {  	(v2sf) =	vpush v0, $0x0;
	_ =	sdelay $0x2  }
0x16: {  	(v2sf) =	vpush v1, $0x1  }
0x17: {  	(v2sf) =	vpush v0, $0x1;
	_ =	sdelay $0x2  }
0x18: {  	(v2sf) =	vpush v1, $0x2  }
0x19: {  	(v2sf) =	vpush v0, $0x2;
	_ =	sdelay $0x5  }
0x1a: {  	s15 =	spop (v2sf);
	(v2sf) =	vpush v1, $0x3  }
0x1b: {  	s16 =	spop (v2sf);
	(v2sf) =	vpush v0, $0x3;
	_ =	sdelay $0x2  }
0x1c: {  	s16 =	sor.u32 s16, s15;
	s29 =	spop (v2sf);
	(v2sf) =	vpush v1, $0x4  }
0x1d: {  	s15 =	sshra.s32 s14, $0x2;
	s16 =	sshrl.u32 s16, $0x3;
	s30 =	spop (v2sf);
	(v2sf) =	vpush v0, $0x4  }
0x1e: {  	s17 =	sadd.s32 $0x200, s15;
	s16 =	sadd.s32 s3, s16  }
0x1f: {  	[tilespmem:s17], [sflag:$0x1] =	stream.linear.gather [hbm4b:s16+s2], $0x80, $0x38;
	[tilespmem:$0x10200] =	vst v63  }
0x20: {  	s17 =	spop (v2sf);
	(v2sf) =	vpush v1, $0x5  }
0x21: {  	s18 =	spop (v2sf);
	(v2sf) =	vpush v0, $0x5;
	_ =	sdelay $0x5  }
0x22: {  	s16 =	sor.u32 s30, s29;
	s20 =	spop (v2sf);
	(v2sf) =	vpush v1, $0x6  }
0x23: {  	s16 =	sshrl.u32 s16, $0x3;
	s21 =	spop (v2sf);
	(v2sf) =	vpush v0, $0x6  }
0x24: {  	s31 =	sadd.s32 $0x280, s15;
	s16 =	sadd.s32 s3, s16  }
0x25: {  	[tilespmem:s31], [sflag:$0x1] =	stream.linear.gather [hbm4b:s16+s2], $0x80, $0x38;
	[tilespmem:$0x10200] =	vst v63  }
0x26: {  	s16 =	sor.u32 s18, s17;
	s23 =	spop (v2sf);
	(v2sf) =	vpush v1, $0x7  }
0x27: {  	s16 =	sshrl.u32 s16, $0x3;
	s24 =	spop (v2sf);
	(v2sf) =	vpush v0, $0x7  }
0x28: {  	s19 =	sadd.s32 $0x300, s15;
	s16 =	sadd.s32 s3, s16  }
0x29: {  	[tilespmem:s19], [sflag:$0x1] =	stream.linear.gather [hbm4b:s16+s2], $0x80, $0x38;
	[tilespmem:$0x10200] =	vst v63  }
0x2a: {  	s26 =	spop (v2sf);
	(v2sf) =	vpush v1, $0x8  }
0x2b: {  	s28 =	spop (v2sf);
	(v2sf) =	vpush v0, $0x8  }
0x2c: {  	s16 =	sor.u32 s21, s20  }
0x2d: {  	s16 =	sshrl.u32 s16, $0x3  }
0x2e: {  	s22 =	sadd.s32 $0x380, s15;
	s16 =	sadd.s32 s3, s16  }
0x2f: {  	[tilespmem:s22], [sflag:$0x1] =	stream.linear.gather [hbm4b:s16+s2], $0x80, $0x38;
	[tilespmem:$0x10200] =	vst v63  }
0x30: {  	s16 =	sor.u32 s24, s23  }
0x31: {  	s16 =	sshrl.u32 s16, $0x3;
	s30 =	spop (v2sf);
	(v2sf) =	vpush v1, $0x9  }
0x32: {  	s25 =	sadd.s32 $0x400, s15;
	s16 =	sadd.s32 s3, s16;
	s31 =	spop (v2sf);
	(v2sf) =	vpush v0, $0x9  }
0x33: {  	[tilespmem:s25], [sflag:$0x1] =	stream.linear.gather [hbm4b:s16+s2], $0x80, $0x38;
	[tilespmem:$0x10200] =	vst v63  }
0x34: {  	s16 =	sor.u32 s28, s26  }
0x35: {  	s16 =	sshrl.u32 s16, $0x3;
	s19 =	spop (v2sf);
	(v2sf) =	vpush v1, $0xA  }
0x36: {  	s29 =	sadd.s32 $0x480, s15;
	s16 =	sadd.s32 s3, s16;
	s20 =	spop (v2sf);
	(v2sf) =	vpush v0, $0xA  }
0x37: {  	[tilespmem:s29], [sflag:$0x1] =	stream.linear.gather [hbm4b:s16+s2], $0x80, $0x38;
	[tilespmem:$0x10200] =	vst v63  }
0x38: {  	s16 =	sor.u32 s31, s30  }
0x39: {  	s16 =	sshrl.u32 s16, $0x3;
	s22 =	spop (v2sf);
	(v2sf) =	vpush v1, $0xB  }
0x3a: {  	s18 =	sadd.s32 $0x500, s15;
	s16 =	sadd.s32 s3, s16;
	s23 =	spop (v2sf);
	(v2sf) =	vpush v0, $0xB  }
0x3b: {  	[tilespmem:s18], [sflag:$0x1] =	stream.linear.gather [hbm4b:s16+s2], $0x80, $0x38;
	[tilespmem:$0x10200] =	vst v63  }
0x3c: {  	s16 =	sor.u32 s20, s19  }
0x3d: {  	s16 =	sshrl.u32 s16, $0x3  }
0x3e: {  	s21 =	sadd.s32 $0x580, s15;
	s16 =	sadd.s32 s3, s16  }
0x3f: {  	[tilespmem:s21], [sflag:$0x1] =	stream.linear.gather [hbm4b:s16+s2], $0x80, $0x38;
	[tilespmem:$0x10200] =	vst v63  }
0x40: {  	s16 =	sor.u32 s23, s22;
	s25 =	spop (v2sf);
	(v2sf) =	vpush v1, $0xC  }
0x41: {  	s16 =	sshrl.u32 s16, $0x3;
	s26 =	spop (v2sf);
	(v2sf) =	vpush v0, $0xC  }
0x42: {  	s24 =	sadd.s32 $0x600, s15;
	s16 =	sadd.s32 s3, s16  }
0x43: {  	[tilespmem:s24], [sflag:$0x1] =	stream.linear.gather [hbm4b:s16+s2], $0x80, $0x38;
	[tilespmem:$0x10200] =	vst v63  }
0x44: {  	s16 =	sor.u32 s26, s25;
	s29 =	spop (v2sf);
	(v2sf) =	vpush v1, $0xD  }
0x45: {  	s16 =	sshrl.u32 s16, $0x3;
	s30 =	spop (v2sf);
	(v2sf) =	vpush v0, $0xD  }
0x46: {  	s28 =	sadd.s32 $0x680, s15;
	s16 =	sadd.s32 s3, s16  }
0x47: {  	[tilespmem:s28], [sflag:$0x1] =	stream.linear.gather [hbm4b:s16+s2], $0x80, $0x38;
	[tilespmem:$0x10200] =	vst v63  }
0x48: {  	s17 =	spop (v2sf);
	(v2sf) =	vpush v1, $0xE  }
0x49: {  	s18 =	spop (v2sf);
	(v2sf) =	vpush v0, $0xE  }
0x4a: {  	s16 =	sor.u32 s30, s29  }
0x4b: {  	s16 =	sshrl.u32 s16, $0x3  }
0x4c: {  	s31 =	sadd.s32 $0x700, s15;
	s16 =	sadd.s32 s3, s16  }
0x4d: {  	[tilespmem:s31], [sflag:$0x1] =	stream.linear.gather [hbm4b:s16+s2], $0x80, $0x38;
	[tilespmem:$0x10200] =	vst v63  }
0x4e: {  	s16 =	sor.u32 s18, s17  }
0x4f: {  	s16 =	sshrl.u32 s16, $0x3;
	s20 =	spop (v2sf);
	(v2sf) =	vpush v1, $0xF  }
0x50: {  	s19 =	sadd.s32 $0x780, s15;
	s16 =	sadd.s32 s3, s16;
	s21 =	spop (v2sf);
	(v2sf) =	vpush v0, $0xF  }
0x51: {  	[tilespmem:s19], [sflag:$0x1] =	stream.linear.gather [hbm4b:s16+s2], $0x80, $0x38;
	[tilespmem:$0x10200] =	vst v63  }
0x52: {  	s16 =	sor.u32 s21, s20  }
0x53: {  	s23 =	spop (v2sf);
	s16 =	sshrl.u32 s16, $0x3  }
0x54: {  	s22 =	sadd.s32 $0x800, s15;
	s24 =	spop (v2sf);
	s16 =	sadd.s32 s3, s16  }
0x55: {  	[tilespmem:s22], [sflag:$0x1] =	stream.linear.gather [hbm4b:s16+s2], $0x80, $0x38;
	[tilespmem:$0x10200] =	vst v63  }
0x56: {  	s16 =	sor.u32 s24, s23  }
0x57: {  	s26 =	spop (v2sf);
	s16 =	sshrl.u32 s16, $0x3  }
0x58: {  	s25 =	sadd.s32 $0x880, s15;
	s28 =	spop (v2sf);
	s16 =	sadd.s32 s3, s16  }
0x59: {  	[tilespmem:s25], [sflag:$0x1] =	stream.linear.gather [hbm4b:s16+s2], $0x80, $0x38;
	[tilespmem:$0x10200] =	vst v63  }
0x5a: {  	s16 =	sor.u32 s28, s26  }
0x5b: {  	s16 =	sshrl.u32 s16, $0x3  }
0x5c: {  	s29 =	sadd.s32 $0x900, s15;
	s16 =	sadd.s32 s3, s16  }
0x5d: {  	[tilespmem:s29], [sflag:$0x1] =	stream.linear.gather [hbm4b:s16+s2], $0x80, $0x38;
	[tilespmem:$0x10200] =	vst v63  }
0x5e: {  	p0 =	sne.s32 s14, $0x3E000;
	s30 =	spop (v2sf)  }
.Ltmp0:
0x5f: {  	s31 =	spop (v2sf);
	(pc) =	sbr.rel @p0 .LBB2_2-.Ltmp0, $4  }
0x60: {  	s16 =	sor.u32 s31, s30  }
0x61: {  	s13 =	sadd.s32 $0x10, s13;
	s16 =	sshrl.u32 s16, $0x3  }
0x62: {  	s14 =	sadd.s32 $0x2000, s14;
	s15 =	sadd.s32 $0x980, s15;
	s16 =	sadd.s32 s3, s16  }
0x63: {  	[tilespmem:s15], [sflag:$0x1] =	stream.linear.gather [hbm4b:s16+s2], $0x80, $0x38;
	[tilespmem:$0x10200] =	vst v63  }
0x64: {  	_ =	swait.ge [sflag:s10], $0x10000;
	s12 =	sadd.s32 $0x1, s12  }
0x65: {  	[sflag:s10] =	ssyncset.done $0x0;
	p0 =	sne.s32 s12, s6  }
.Ltmp1:
0x66: {  	[sflag:s10] =	ssyncadd.s32 $0xFFFF0000;
	(pc) =	sbr.rel @p0 .LBB2_1-.Ltmp1, $4  }
0x67: {  	[hbm4b:s5+s2] =	stream.linear.scatter [tilespmem:s11], [sflag:$0x2], $0x10000, $0x38;
	[tilespmem:$0x10200] =	vst v63  }
0x68: {  	_ =	swait.ge [sflag:s9], $0x10000  }
0x69: {  	[sflag:s9] =	ssyncset.done $0x0  }
0x6a: {  	[sflag:s9] =	ssyncadd.s32 $0xFFFF0000  }
0x6b: {  	_ =	sfence.sel $0x180000  }
0x6c: {  	[bflag:$0x0] =	sbarrier.arrive $0xFFFF  }
0x6d: {  	p0 =	sne.s32 s1, $0x0;
	_ =	strace $0x90000047  }
0x6e: {  	s0 =	sadd.s32 @!p0 $0x100000, s0;
	[bflag:$0x2] =	sbarrier.arrive $0xFFFF  }
0x6f: {  	[sflag:s0] =	ssyncadd.tile.s32 @!p0 $0x1;
	_ =	shalt  }
.Lfunc_end2:
_tile_overlayer_lowered:
.L_overlay_start_2:
0x70: {  	(tag) =	ssettag $0x2  }
0x71: {  	s0 =	rddreg [dreg:$0x0];
	s2 =	stileid.u32  }
0x72: {  	s1 =	rddreg [dreg:$0x1];
	p0 =	sne.s32 s2, $0x0  }
0x73: {  	s3 =	rddreg [dreg:$0x2];
	[bflag:$0x3] =	sbarrier.arrive $0xFFFF;
	s2 =	simm.s32 @!p0 $0x1C02  }
0x74: {  	[timem:s3], [sflag:s2] =	dma.local @!p0 [hbm:s0], s1  }
0x75: {  	s0 =	simm.s32 @!p0 $0x2  }
0x76: {  	_ =	swait.ge @!p0 [sflag:s0], s1  }
0x77: {  	s1 =	ssub.s32 @!p0 $0x0, s1;
	[sflag:s0] =	ssyncset.done @!p0 $0x0  }
0x78: {  	[sflag:s0] =	ssyncadd.s32 @!p0 s1  }
0x79: {  	[bflag:$0x3] =	sbarrier.arrive $0xFFFF  }
0x7a: {  	_ =	shalt  }

</sc_bundles>
